<compile_context>
chip_gen: v7x
topology: tpu7x:2x2x1
jax: 0.10.2.dev20260603
libtpu: 0.0.44.dev20260713+nightly
codegen_flags: <defaults>
</compile_context>

<pallas_src>
import functools

import jax
import jax.numpy as jnp
from jax import lax
from jax.experimental import pallas as pl
from jax.experimental.pallas import tpu as pltpu
from jax.experimental.pallas import tpu_sc as plsc

_B, _N, _M, _P = 2, 10000, 10000, 128
_K, _KC, _FEAT = 32, 4, 128
_SIGMA = 0.01
_C = 10112
_QB = 512
_BIG = 1.0e9
_HIGH = jax.lax.Precision.HIGHEST


def _dot(a, b):
    return jax.lax.dot_general(a, b, (((1,), (0,)), ((), ())),
                               precision=_HIGH,
                               preferred_element_type=jnp.float32)


def _knn1_kernel(noisyT_ref, sidx_ref, w1_ref, b1_ref, w2_ref, b2_ref,
                 q_ref, feat_ref, idx_ref, d_ref):
    px = noisyT_ref[0, 0:1, :]
    py = noisyT_ref[0, 1:2, :]
    pz = noisyT_ref[0, 2:3, :]
    iota = jax.lax.broadcasted_iota(jnp.int32, (1, _C), 1)
    sidx = sidx_ref[:, :]
    sel = iota == sidx
    zeros = jnp.zeros((_P, _C), jnp.float32)
    qx = jnp.sum(jnp.where(sel, px, zeros), axis=1, keepdims=True)
    qy = jnp.sum(jnp.where(sel, py, zeros), axis=1, keepdims=True)
    qz = jnp.sum(jnp.where(sel, pz, zeros), axis=1, keepdims=True)
    q3 = jnp.concatenate([qx, qy, qz], axis=1)
    q_ref[0, :, :] = q3

    h = jnp.maximum(_dot(q3, w1_ref[:, :]) + b1_ref[0:1, :], 0.0)
    feat_ref[0, :, :] = _dot(h, w2_ref[:, :]) + b2_ref[0:1, :]

    d_ref[:, :] = (qx - px) ** 2 + (qy - py) ** 2 + (qz - pz) ** 2

    kiota = jax.lax.broadcasted_iota(jnp.int32, (1, _K), 1)
    big_i = jnp.int32(2**30)
    off = pl.program_id(0) * _C

    def body(k, idxs):
        d = d_ref[:, :]
        m = jnp.min(d, axis=1, keepdims=True)
        hit = d == m
        idx = jnp.min(jnp.where(hit, iota, big_i), axis=1, keepdims=True)
        d_ref[:, :] = jnp.where(iota == idx, _BIG, d)
        colk = kiota == k
        return jnp.where(colk, idx + off, idxs)

    idxs = jax.lax.fori_loop(0, _K, body,
                             jnp.zeros((_P, _K), jnp.int32))
    idx_ref[0, :, :] = idxs


def _knn2_kernel(f4_ref, q4_ref, featrep_ref, cleanT_ref,
                 ws1a_ref, ws1b_ref, bs1_ref, ws2_ref, bs2_ref,
                 out_ref):
    b = pl.program_id(0)
    j = pl.program_id(1)

    @pl.when(jnp.logical_and(b == 0, j == 0))
    def _():
        out_ref[0, 0] = 0.0

    f4 = f4_ref[0, :, :]
    q4 = q4_ref[0, :, :]
    disp = (f4 - q4)[:, 0:3]
    h = _dot(disp, ws1a_ref[:, :]) + _dot(featrep_ref[0, :, :], ws1b_ref[:, :])
    h = jnp.maximum(h + bs1_ref[0:1, :], 0.0)
    estim = _dot(h, ws2_ref[:, :]) + bs2_ref[0:1, :]

    px = cleanT_ref[0, 0:1, :]
    py = cleanT_ref[0, 1:2, :]
    pz = cleanT_ref[0, 2:3, :]
    fx = f4[:, 0:1]
    fy = f4[:, 1:2]
    fz = f4[:, 2:3]
    d = (fx - px) ** 2 + (fy - py) ** 2 + (fz - pz) ** 2
    m1 = jnp.min(d, axis=1, keepdims=True)
    m2 = jnp.min(jnp.where(d > m1, d, _BIG), axis=1, keepdims=True)
    m3 = jnp.min(jnp.where(d > m2, d, _BIG), axis=1, keepdims=True)
    m4 = jnp.min(jnp.where(d > m3, d, _BIG), axis=1, keepdims=True)
    sel = d <= m4
    zeros = jnp.zeros((_QB, _C), jnp.float32)
    cnt = jnp.sum(jnp.where(sel, jnp.ones((_QB, _C), jnp.float32), zeros),
                  axis=1, keepdims=True)
    csx = jnp.sum(jnp.where(sel, px, zeros), axis=1, keepdims=True)
    csy = jnp.sum(jnp.where(sel, py, zeros), axis=1, keepdims=True)
    csz = jnp.sum(jnp.where(sel, pz, zeros), axis=1, keepdims=True)
    gx = csx / cnt - fx
    gy = csy / cnt - fy
    gz = csz / cnt - fz
    ex = estim[:, 0:1]
    ey = estim[:, 1:2]
    ez = estim[:, 2:3]
    err = (ex - gx) ** 2 + (ey - gy) ** 2 + (ez - gz) ** 2
    scale = 0.5 * (1.0 / _SIGMA) / (_B * _P * _K)
    out_ref[0, 0] += jnp.sum(err) * scale


_NROWS = _B * _P * _K
_ROWD = 128


def _sc_gather(idx_flat, table):
    info = plsc.get_sparse_core_info()
    nw = info.num_cores * info.num_subcores
    per_w = _NROWS // nw
    mesh = plsc.VectorSubcoreMesh(core_axis_name="c", subcore_axis_name="s")

    @functools.partial(
        pl.kernel, mesh=mesh,
        out_type=jax.ShapeDtypeStruct((_NROWS, _ROWD), jnp.float32),
        scratch_types=[
            pltpu.VMEM((per_w,), jnp.int32),
            pltpu.VMEM((per_w, _ROWD), jnp.float32),
            pltpu.SemaphoreType.DMA,
        ],
    )
    def gk(idx_hbm, table_hbm, out_hbm, idx_v, rows_v, sem):
        wid = lax.axis_index("s") * info.num_cores + lax.axis_index("c")
        base = wid * per_w
        pltpu.sync_copy(idx_hbm.at[pl.ds(base, per_w)], idx_v)
        pltpu.async_copy(table_hbm.at[idx_v], rows_v, sem).wait()
        pltpu.sync_copy(rows_v, out_hbm.at[pl.ds(base, per_w)])

    return gk(idx_flat, table)


def kernel(noisy_pc, clean_pc, sampled_idx, W1, b1, W2, b2, Ws1, bs1, Ws2, bs2):
    f32 = jnp.float32
    noisyT = jnp.transpose(noisy_pc.astype(f32), (0, 2, 1))
    noisyT = jnp.pad(noisyT, ((0, 0), (0, 5), (0, _C - _N)),
                     constant_values=_BIG)
    cleanT = jnp.transpose(clean_pc.astype(f32), (0, 2, 1))
    cleanT = jnp.pad(cleanT, ((0, 0), (0, 5), (0, _C - _M)),
                     constant_values=_BIG)
    sidx2d = sampled_idx.astype(jnp.int32).reshape(_P, 1)

    q, feat, idx1g = pl.pallas_call(
        _knn1_kernel,
        grid=(_B,),
        in_specs=[
            pl.BlockSpec((1, 8, _C), lambda b: (b, 0, 0)),
            pl.BlockSpec((_P, 1), lambda b: (0, 0)),
            pl.BlockSpec((3, _FEAT), lambda b: (0, 0)),
            pl.BlockSpec((1, _FEAT), lambda b: (0, 0)),
            pl.BlockSpec((_FEAT, _FEAT), lambda b: (0, 0)),
            pl.BlockSpec((1, _FEAT), lambda b: (0, 0)),
        ],
        out_specs=[
            pl.BlockSpec((1, _P, 3), lambda b: (b, 0, 0)),
            pl.BlockSpec((1, _P, _FEAT), lambda b: (b, 0, 0)),
            pl.BlockSpec((1, _P, _K), lambda b: (b, 0, 0)),
        ],
        out_shape=[
            jax.ShapeDtypeStruct((_B, _P, 3), f32),
            jax.ShapeDtypeStruct((_B, _P, _FEAT), f32),
            jax.ShapeDtypeStruct((_B, _P, _K), jnp.int32),
        ],
        scratch_shapes=[pltpu.VMEM((_P, _C), f32)],
    )(noisyT, sidx2d, W1.astype(f32), b1.reshape(1, _FEAT).astype(f32),
      W2.astype(f32), b2.reshape(1, _FEAT).astype(f32))

    table = jnp.pad(noisy_pc.astype(f32),
                    ((0, 0), (0, _C - _N), (0, _ROWD - 3))
                    ).reshape(_B * _C, _ROWD)
    frows = _sc_gather(idx1g.reshape(_NROWS), table)
    f4 = frows[:, 0:4].reshape(_B, _P * _K, 4)
    q4 = jnp.pad(q, ((0, 0), (0, 0), (0, 1)))
    q4 = jnp.repeat(q4, _K, axis=1)
    featrep = jnp.repeat(feat, _K, axis=1)

    nblk = (_P * _K) // _QB
    loss = pl.pallas_call(
        _knn2_kernel,
        grid=(_B, nblk),
        in_specs=[
            pl.BlockSpec((1, _QB, 4), lambda b, j: (b, j, 0)),
            pl.BlockSpec((1, _QB, 4), lambda b, j: (b, j, 0)),
            pl.BlockSpec((1, _QB, _FEAT), lambda b, j: (b, j, 0)),
            pl.BlockSpec((1, 8, _C), lambda b, j: (b, 0, 0)),
            pl.BlockSpec((3, _FEAT), lambda b, j: (0, 0)),
            pl.BlockSpec((_FEAT, _FEAT), lambda b, j: (0, 0)),
            pl.BlockSpec((1, _FEAT), lambda b, j: (0, 0)),
            pl.BlockSpec((_FEAT, 3), lambda b, j: (0, 0)),
            pl.BlockSpec((1, 3), lambda b, j: (0, 0)),
        ],
        out_specs=pl.BlockSpec((1, 1), lambda b, j: (0, 0),
                               memory_space=pltpu.SMEM),
        out_shape=jax.ShapeDtypeStruct((1, 1), f32),
    )(f4, q4, featrep, cleanT,
      Ws1[0:3, :].astype(f32), Ws1[3:, :].astype(f32),
      bs1.reshape(1, _FEAT).astype(f32),
      Ws2.astype(f32), bs2.reshape(1, 3).astype(f32))

    return loss[0, 0]

# --- scband reference (transcript-rebuilt; emitter-appended) ---
"""Pipeline reference for scband-denoise-net-72043781423737 (READ-ONLY COPY).

The authoritative reference and input builder live on the scoring server;
editing this copy changes nothing except your own understanding.
"""

import jax, jax.numpy as jnp
import numpy as np

B, N, M, P = 2, 10000, 10000, 128
K, KC = 32, 4
FEAT = 128
SIGMA = 0.01


def setup_inputs(seed: int = 0) -> dict:
    key = jax.random.key(seed)
    ks = jax.random.split(key, 12)
    inp = {}
    inp['noisy_pc'] = jax.random.uniform(ks[0], (B, N, 3), dtype=jnp.float32)
    inp['clean_pc'] = jax.random.uniform(ks[1], (B, M, 3), dtype=jnp.float32)
    inp['sampled_idx'] = jax.random.randint(ks[2], (P,), 0, N)
    # FeatureExtraction params (per-point MLP 3 -> 128 -> 128)
    inp['W1'] = jax.random.normal(ks[3], (3, FEAT), dtype=jnp.float32) * 0.1
    inp['b1'] = jnp.zeros((FEAT,), dtype=jnp.float32)
    inp['W2'] = jax.random.normal(ks[4], (FEAT, FEAT), dtype=jnp.float32) * 0.1
    inp['b2'] = jnp.zeros((FEAT,), dtype=jnp.float32)
    # ScoreNetwork params ((3 + feat) -> 128 -> 3 per neighbor)
    inp['Ws1'] = jax.random.normal(ks[5], (3 + FEAT, FEAT), dtype=jnp.float32) * 0.1
    inp['bs1'] = jnp.zeros((FEAT,), dtype=jnp.float32)
    inp['Ws2'] = jax.random.normal(ks[6], (FEAT, 3), dtype=jnp.float32) * 0.1
    inp['bs2'] = jnp.zeros((3,), dtype=jnp.float32)
    return inp


def _knn_gather(pc, idx):
    # pc: [B, Np, 3], idx: [B, Q, Kk] -> [B, Q, Kk, 3]
    return jax.vmap(lambda p, i: p[i])(pc, idx)


def reference(noisy_pc, clean_pc, sampled_idx, W1, b1, W2, b2, Ws1, bs1, Ws2, bs2):
    Bv, Nv, _ = noisy_pc.shape
    Mv = clean_pc.shape[1]
    Pv = sampled_idx.shape[0]
    # FeatureExtraction (pointwise MLP), then select sampled points
    feat = jnp.maximum(noisy_pc @ W1 + b1, 0.0) @ W2 + b2            # [B, N, FEAT]
    noisy_feat = feat[:, sampled_idx, :]                              # [B, P, FEAT]
    q = noisy_pc[:, sampled_idx, :]                                   # [B, P, 3]
    # knn_points(q, noisy_pc, K=32, return_nn=True)[2]
    d1 = jnp.sum((q[:, :, None, :] - noisy_pc[:, None, :, :]) ** 2, axis=-1)  # [B, P, N]
    _, idx1 = jax.lax.top_k(-d1, K)                                   # [B, P, K]
    f = _knn_gather(noisy_pc, idx1)                                   # [B, P, K, 3]
    f_origin = q[:, :, None, :]                                       # [B, P, 1, 3]
    # ScoreNetwork on (f - f_origin) with per-point features
    disp = (f - f_origin).reshape(-1, K, 3)                           # [B*P, K, 3]
    featf = noisy_feat.reshape(-1, noisy_feat.shape[-1])              # [B*P, FEAT]
    h = jnp.concatenate(
        [disp, jnp.broadcast_to(featf[:, None, :], (featf.shape[0], K, featf.shape[-1]))],
        axis=-1)                                                      # [B*P, K, 3+FEAT]
    h = jnp.maximum(h @ Ws1 + bs1, 0.0)
    estim_score = (h @ Ws2 + bs2).reshape(Bv, Pv, K, 3)               # [B, P, K, 3]
    # knn_points(merge_f, merge_clean, K=4): equivalent per-batch formulation
    fq = f.reshape(Bv, Pv * K, 3)                                     # [B, P*K, 3]
    d2 = jnp.sum((fq[:, :, None, :] - clean_pc[:, None, :, :]) ** 2, axis=-1)  # [B, P*K, M]
    _, idx2 = jax.lax.top_k(-d2, KC)                                  # [B, P*K, KC]
    knn_clean = _knn_gather(clean_pc, idx2).reshape(Bv, Pv, K, KC, 3)  # [B, P, K, KC, 3]
    ground_score = f[:, :, :, None, :] - knn_clean                    # [B, P, K, KC, 3]
    ground_score = -1.0 * ground_score.mean(axis=3)                   # [B, P, K, 3]
    loss = 0.5 * (((estim_score - ground_score) ** 2.0) * (1.0 / SIGMA)).sum(axis=-1).mean()
    return loss

if __name__ == "__main__":
    import jax
    _d = setup_inputs()
    print(jax.jit(kernel)(*tuple(_d.values())))

</pallas_src>

<mosaic_0001>
#map = affine_map<(d0, d1) -> (0)>
#map1 = affine_map<(d0, d1) -> (0, 0)>
module attributes {stable_mosaic.version = 14 : i64} {
  func.func @gk(%arg0: i32, %arg1: i32, %arg2: memref<8192xi32, #tpu.memory_space<hbm>>, %arg3: memref<20224x128xf32, #tpu.memory_space<hbm>>, %arg4: memref<8192x128xf32, #tpu.memory_space<hbm>>, %arg5: memref<256xi32, #tpu.memory_space<vmem>>, %arg6: memref<256x128xf32, #tpu.memory_space<vmem>>, %arg7: memref<!tpu.dma_semaphore, #tpu.memory_space<semaphore_mem>>) attributes {dimension_semantics = [#tpu.dimension_semantics<core_parallel>, #tpu.dimension_semantics<subcore_parallel>], iteration_bounds = array<i64: 2, 16>, scalar_prefetch = 0 : i64, scratch_operands = 3 : i64, tpu.core_type = #tpu.core_type<sc_vector_subcore>, window_params = [{transform_indices = #map}, {transform_indices = #map1}, {transform_indices = #map1}]} {
    %mul3A = arith.constant 2 : i32
    %mul3A_0 = arith.muli %arg1, %mul3A : i32
    %add3A = arith.addi %mul3A_0, %arg0 : i32
    %mul3A_1 = arith.constant 256 : i32
    %mul3A_2 = arith.muli %add3A, %mul3A_1 : i32
    "tpu.region"() ({
      %run_scoped3A = tpu.sem_alloc : memref<!tpu.dma_semaphore, #tpu.memory_space<semaphore_mem>>
      %dma_start3A_7 = tpu.memref_slice %arg2[%mul3A_2] : memref<8192xi32, #tpu.memory_space<hbm>> -> memref<256xi32, #tpu.memory_space<hbm>>
      %dma_start3A_8 = tpu.memref_slice %arg2[%mul3A_2] : memref<8192xi32, #tpu.memory_space<hbm>> -> memref<256xi32, #tpu.memory_space<hbm>>
      tpu.enqueue_dma source(%dma_start3A_8 : memref<256xi32, #tpu.memory_space<hbm>>) target(%arg5 : memref<256xi32, #tpu.memory_space<vmem>>) target_semaphore(%run_scoped3A : memref<!tpu.dma_semaphore, #tpu.memory_space<semaphore_mem>>)
      %dma_wait3A_9 = tpu.memref_slice %arg2[%mul3A_2] : memref<8192xi32, #tpu.memory_space<hbm>> -> memref<256xi32, #tpu.memory_space<hbm>>
      %dma_wait3A_10 = tpu.memref_slice %arg2[%mul3A_2] : memref<8192xi32, #tpu.memory_space<hbm>> -> memref<256xi32, #tpu.memory_space<hbm>>
      tpu.wait_dma2 semaphore(%run_scoped3A : memref<!tpu.dma_semaphore, #tpu.memory_space<semaphore_mem>>) src(%dma_wait3A_10 : memref<256xi32, #tpu.memory_space<hbm>>) dst(%arg5 : memref<256xi32, #tpu.memory_space<vmem>>)
      tpu.yield
    }) : () -> ()
    %dma_start3A = arith.constant 0 : i32
    %dma_start3A_3 = arith.constant 0 : i32
    %dma_start3A_4 = tpu.memref_slice %arg3[%dma_start3A, %dma_start3A_3] : memref<20224x128xf32, #tpu.memory_space<hbm>> -> memref<20224x128xf32, #tpu.memory_space<hbm>>
    tpu.enqueue_indirect_dma source(%dma_start3A_4 : memref<20224x128xf32, #tpu.memory_space<hbm>>) target(%arg6 : memref<256x128xf32, #tpu.memory_space<vmem>>) offsets(%arg5 : memref<256xi32, #tpu.memory_space<vmem>>) semaphore(%arg7 : memref<!tpu.dma_semaphore, #tpu.memory_space<semaphore_mem>>)
    %dma_wait3A = arith.constant 0 : i32
    %dma_wait3A_5 = arith.constant 0 : i32
    %dma_wait3A_6 = tpu.memref_slice %arg3[%dma_wait3A, %dma_wait3A_5] : memref<20224x128xf32, #tpu.memory_space<hbm>> -> memref<20224x128xf32, #tpu.memory_space<hbm>>
    tpu.wait_indirect_dma semaphore(%arg7 : memref<!tpu.dma_semaphore, #tpu.memory_space<semaphore_mem>>) src(%dma_wait3A_6 : memref<20224x128xf32, #tpu.memory_space<hbm>>) dst(%arg6 : memref<256x128xf32, #tpu.memory_space<vmem>>)
    "tpu.region"() ({
      %run_scoped3A = tpu.sem_alloc : memref<!tpu.dma_semaphore, #tpu.memory_space<semaphore_mem>>
      %dma_start3A_7 = arith.constant 0 : i32
      %dma_start3A_8 = tpu.memref_slice %arg4[%mul3A_2, %dma_start3A_7] : memref<8192x128xf32, #tpu.memory_space<hbm>> -> memref<256x128xf32, #tpu.memory_space<hbm>>
      %dma_start3A_9 = arith.constant 0 : i32
      %dma_start3A_10 = tpu.memref_slice %arg4[%mul3A_2, %dma_start3A_9] : memref<8192x128xf32, #tpu.memory_space<hbm>> -> memref<256x128xf32, #tpu.memory_space<hbm>>
      tpu.enqueue_dma source(%arg6 : memref<256x128xf32, #tpu.memory_space<vmem>>) target(%dma_start3A_10 : memref<256x128xf32, #tpu.memory_space<hbm>>) target_semaphore(%run_scoped3A : memref<!tpu.dma_semaphore, #tpu.memory_space<semaphore_mem>>)
      %dma_wait3A_11 = arith.constant 0 : i32
      %dma_wait3A_12 = tpu.memref_slice %arg4[%mul3A_2, %dma_wait3A_11] : memref<8192x128xf32, #tpu.memory_space<hbm>> -> memref<256x128xf32, #tpu.memory_space<hbm>>
      %dma_wait3A_13 = arith.constant 0 : i32
      %dma_wait3A_14 = tpu.memref_slice %arg4[%mul3A_2, %dma_wait3A_13] : memref<8192x128xf32, #tpu.memory_space<hbm>> -> memref<256x128xf32, #tpu.memory_space<hbm>>
      tpu.wait_dma2 semaphore(%run_scoped3A : memref<!tpu.dma_semaphore, #tpu.memory_space<semaphore_mem>>) src(%arg6 : memref<256x128xf32, #tpu.memory_space<vmem>>) dst(%dma_wait3A_14 : memref<256x128xf32, #tpu.memory_space<hbm>>)
      tpu.yield
    }) : () -> ()
    return
  }
}

module attributes {stable_mosaic.version = 14 : i64} {
  func.func @_knn1_kernel(%arg0: i32, %arg1: memref<1x8x10112xf32, #tpu.memory_space<vmem>>, %arg2: memref<128x1xi32, #tpu.memory_space<vmem>>, %arg3: memref<3x128xf32, #tpu.memory_space<vmem>>, %arg4: memref<1x128xf32, #tpu.memory_space<vmem>>, %arg5: memref<128x128xf32, #tpu.memory_space<vmem>>, %arg6: memref<1x128xf32, #tpu.memory_space<vmem>>, %arg7: memref<1x128x3xf32, #tpu.memory_space<vmem>>, %arg8: memref<1x128x128xf32, #tpu.memory_space<vmem>>, %arg9: memref<1x128x32xi32, #tpu.memory_space<vmem>>, %arg10: memref<128x10112xf32, #tpu.memory_space<vmem>>) attributes {dimension_semantics = [#tpu.dimension_semantics<arbitrary>], iteration_bounds = array<i64: 2>, scalar_prefetch = 0 : i64, scratch_operands = 1 : i64, tpu.core_type = #tpu.core_type<tc>, window_params = [{transform_indices = @transform_0, window_bounds = array<i64: 1, 8, 10112>}, {pipeline_mode = #tpu.pipeline_mode<synchronous>, transform_indices = @transform_1, window_bounds = array<i64: 128, 1>}, {pipeline_mode = #tpu.pipeline_mode<synchronous>, transform_indices = @transform_2, window_bounds = array<i64: 3, 128>}, {pipeline_mode = #tpu.pipeline_mode<synchronous>, transform_indices = @transform_3, window_bounds = array<i64: 1, 128>}, {pipeline_mode = #tpu.pipeline_mode<synchronous>, transform_indices = @transform_4, window_bounds = array<i64: 128, 128>}, {pipeline_mode = #tpu.pipeline_mode<synchronous>, transform_indices = @transform_5, window_bounds = array<i64: 1, 128>}, {transform_indices = @transform_6, window_bounds = array<i64: 1, 128, 3>}, {transform_indices = @transform_7, window_bounds = array<i64: 1, 128, 128>}, {transform_indices = @transform_8, window_bounds = array<i64: 1, 128, 32>}]} {
    %get3A = arith.constant 0 : index
    %get3A_0 = arith.constant 0 : index
    %get3A_1 = arith.constant 0 : index
    %get3A_2 = vector.load %arg1[%get3A, %get3A_0, %get3A_1] : memref<1x8x10112xf32, #tpu.memory_space<vmem>>, vector<1x1x10112xf32>
    %get3A_3 = vector.shape_cast %get3A_2 : vector<1x1x10112xf32> to vector<1x10112xf32>
    %get3A_4 = arith.constant 0 : index
    %get3A_5 = arith.constant 1 : index
    %get3A_6 = arith.constant 0 : index
    %get3A_7 = vector.load %arg1[%get3A_4, %get3A_5, %get3A_6] : memref<1x8x10112xf32, #tpu.memory_space<vmem>>, vector<1x1x10112xf32>
    %get3A_8 = vector.shape_cast %get3A_7 : vector<1x1x10112xf32> to vector<1x10112xf32>
    %get3A_9 = arith.constant 0 : index
    %get3A_10 = arith.constant 2 : index
    %get3A_11 = arith.constant 0 : index
    %get3A_12 = vector.load %arg1[%get3A_9, %get3A_10, %get3A_11] : memref<1x8x10112xf32, #tpu.memory_space<vmem>>, vector<1x1x10112xf32>
    %get3A_13 = vector.shape_cast %get3A_12 : vector<1x1x10112xf32> to vector<1x10112xf32>
    %iota3A = tpu.iota {dimensions = array<i32: 1>} : vector<1x10112xi32>
    %get3A_14 = arith.constant 0 : index
    %get3A_15 = arith.constant 0 : index
    %get3A_16 = vector.load %arg2[%get3A_14, %get3A_15] : memref<128x1xi32, #tpu.memory_space<vmem>>, vector<128x1xi32>
    %eq3A = vector.broadcast %iota3A : vector<1x10112xi32> to vector<128x10112xi32>
    %eq3A_17 = vector.broadcast %get3A_16 : vector<128x1xi32> to vector<128x10112xi32>
    %eq3A_18 = arith.cmpi eq, %eq3A, %eq3A_17 : vector<128x10112xi32>
    %broadcast_in_dim3A = arith.constant 0.000000e+00 : f32
    %broadcast_in_dim3A_19 = vector.broadcast %broadcast_in_dim3A : f32 to vector<128x10112xf32>
    %broadcast_in_dim3A_20 = vector.shape_cast %get3A_3 : vector<1x10112xf32> to vector<1x10112xf32>
    %broadcast_in_dim3A_21 = vector.broadcast %broadcast_in_dim3A_20 : vector<1x10112xf32> to vector<128x10112xf32>
    %select_n3A = arith.select %eq3A_18, %broadcast_in_dim3A_21, %broadcast_in_dim3A_19 : vector<128x10112xi1>, vector<128x10112xf32>
    %reduce_sum3A = arith.constant dense<0.000000e+00> : vector<128xf32>
    %reduce_sum3A_22 = vector.multi_reduction <add>, %select_n3A, %reduce_sum3A [1] : vector<128x10112xf32> to vector<128xf32>
    %broadcast_in_dim3A_23 = vector.shape_cast %reduce_sum3A_22 : vector<128xf32> to vector<128x1xf32>
    %broadcast_in_dim3A_24 = vector.shape_cast %get3A_8 : vector<1x10112xf32> to vector<1x10112xf32>
    %broadcast_in_dim3A_25 = vector.broadcast %broadcast_in_dim3A_24 : vector<1x10112xf32> to vector<128x10112xf32>
    %select_n3A_26 = arith.select %eq3A_18, %broadcast_in_dim3A_25, %broadcast_in_dim3A_19 : vector<128x10112xi1>, vector<128x10112xf32>
    %reduce_sum3A_27 = arith.constant dense<0.000000e+00> : vector<128xf32>
    %reduce_sum3A_28 = vector.multi_reduction <add>, %select_n3A_26, %reduce_sum3A_27 [1] : vector<128x10112xf32> to vector<128xf32>
    %broadcast_in_dim3A_29 = vector.shape_cast %reduce_sum3A_28 : vector<128xf32> to vector<128x1xf32>
    %broadcast_in_dim3A_30 = vector.shape_cast %get3A_13 : vector<1x10112xf32> to vector<1x10112xf32>
    %broadcast_in_dim3A_31 = vector.broadcast %broadcast_in_dim3A_30 : vector<1x10112xf32> to vector<128x10112xf32>
    %select_n3A_32 = arith.select %eq3A_18, %broadcast_in_dim3A_31, %broadcast_in_dim3A_19 : vector<128x10112xi1>, vector<128x10112xf32>
    %reduce_sum3A_33 = arith.constant dense<0.000000e+00> : vector<128xf32>
    %reduce_sum3A_34 = vector.multi_reduction <add>, %select_n3A_32, %reduce_sum3A_33 [1] : vector<128x10112xf32> to vector<128xf32>
    %broadcast_in_dim3A_35 = vector.shape_cast %reduce_sum3A_34 : vector<128xf32> to vector<128x1xf32>
    %concatenate3A = tpu.concatenate %broadcast_in_dim3A_23, %broadcast_in_dim3A_29, %broadcast_in_dim3A_35 in 1 : vector<128x1xf32>, vector<128x1xf32>, vector<128x1xf32> -> vector<128x3xf32>
    %swap3A = arith.constant 0 : index
    %swap3A_36 = arith.constant 0 : index
    %swap3A_37 = arith.constant 0 : index
    %swap3A_38 = vector.load %arg7[%swap3A, %swap3A_36, %swap3A_37] : memref<1x128x3xf32, #tpu.memory_space<vmem>>, vector<1x128x3xf32>
    %swap3A_39 = vector.shape_cast %swap3A_38 : vector<1x128x3xf32> to vector<128x3xf32>
    %swap3A_40 = vector.shape_cast %concatenate3A : vector<128x3xf32> to vector<1x128x3xf32>
    tpu.vector_store %arg7[%swap3A, %swap3A_36, %swap3A_37], %swap3A_40 {strides = array<i32>} : memref<1x128x3xf32, #tpu.memory_space<vmem>>, vector<1x128x3xf32>,
    %get3A_41 = arith.constant 0 : index
    %get3A_42 = arith.constant 0 : index
    %get3A_43 = vector.load %arg3[%get3A_41, %get3A_42] : memref<3x128xf32, #tpu.memory_space<vmem>>, vector<3x128xf32>
    %dot_general3A = arith.constant dense<0.000000e+00> : vector<128x128xf32>
    %dot_general3A_44 = tpu.matmul %concatenate3A, %get3A_43, %dot_general3A {dimension_numbers = #tpu.dot_dimension_numbers<[1], [0], [0], [1], [0, 0, 1, 1], [], []>, precision = #tpu.contract_precision<fp32>, transpose_lhs_hint = false} : vector<128x3xf32>, vector<3x128xf32>, vector<128x128xf32> -> vector<128x128xf32>
    %get3A_45 = arith.constant 0 : index
    %get3A_46 = arith.constant 0 : index
    %get3A_47 = vector.load %arg4[%get3A_45, %get3A_46] : memref<1x128xf32, #tpu.memory_space<vmem>>, vector<1x128xf32>
    %add3A = vector.broadcast %get3A_47 : vector<1x128xf32> to vector<128x128xf32>
    %add3A_48 = arith.addf %dot_general3A_44, %add3A : vector<128x128xf32>
    %max3A = arith.constant 0.000000e+00 : f32
    %max3A_49 = vector.broadcast %max3A : f32 to vector<128x128xf32>
    %max3A_50 = arith.maximumf %add3A_48, %max3A_49 : vector<128x128xf32>
    %get3A_51 = arith.constant 0 : index
    %get3A_52 = arith.constant 0 : index
    %get3A_53 = vector.load %arg5[%get3A_51, %get3A_52] : memref<128x128xf32, #tpu.memory_space<vmem>>, vector<128x128xf32>
    %dot_general3A_54 = arith.constant dense<0.000000e+00> : vector<128x128xf32>
    %dot_general3A_55 = tpu.matmul %max3A_50, %get3A_53, %dot_general3A_54 {dimension_numbers = #tpu.dot_dimension_numbers<[1], [0], [0], [1], [0, 0, 1, 1], [], []>, precision = #tpu.contract_precision<fp32>, transpose_lhs_hint = false} : vector<128x128xf32>, vector<128x128xf32>, vector<128x128xf32> -> vector<128x128xf32>
    %get3A_56 = arith.constant 0 : index
    %get3A_57 = arith.constant 0 : index
    %get3A_58 = vector.load %arg6[%get3A_56, %get3A_57] : memref<1x128xf32, #tpu.memory_space<vmem>>, vector<1x128xf32>
    %add3A_59 = vector.broadcast %get3A_58 : vector<1x128xf32> to vector<128x128xf32>
    %add3A_60 = arith.addf %dot_general3A_55, %add3A_59 : vector<128x128xf32>
    %swap3A_61 = arith.constant 0 : index
    %swap3A_62 = arith.constant 0 : index
    %swap3A_63 = arith.constant 0 : index
    %swap3A_64 = vector.load %arg8[%swap3A_61, %swap3A_62, %swap3A_63] : memref<1x128x128xf32, #tpu.memory_space<vmem>>, vector<1x128x128xf32>
    %swap3A_65 = vector.shape_cast %swap3A_64 : vector<1x128x128xf32> to vector<128x128xf32>
    %swap3A_66 = vector.shape_cast %add3A_60 : vector<128x128xf32> to vector<1x128x128xf32>
    tpu.vector_store %arg8[%swap3A_61, %swap3A_62, %swap3A_63], %swap3A_66 {strides = array<i32>} : memref<1x128x128xf32, #tpu.memory_space<vmem>>, vector<1x128x128xf32>,
    %sub3A = vector.broadcast %broadcast_in_dim3A_23 : vector<128x1xf32> to vector<128x10112xf32>
    %sub3A_67 = vector.broadcast %get3A_3 : vector<1x10112xf32> to vector<128x10112xf32>
    %sub3A_68 = arith.subf %sub3A, %sub3A_67 : vector<128x10112xf32>
    %integer_pow3A = arith.mulf %sub3A_68, %sub3A_68 : vector<128x10112xf32>
    %sub3A_69 = vector.broadcast %broadcast_in_dim3A_29 : vector<128x1xf32> to vector<128x10112xf32>
    %sub3A_70 = vector.broadcast %get3A_8 : vector<1x10112xf32> to vector<128x10112xf32>
    %sub3A_71 = arith.subf %sub3A_69, %sub3A_70 : vector<128x10112xf32>
    %integer_pow3A_72 = arith.mulf %sub3A_71, %sub3A_71 : vector<128x10112xf32>
    %add3A_73 = arith.addf %integer_pow3A, %integer_pow3A_72 : vector<128x10112xf32>
    %sub3A_74 = vector.broadcast %broadcast_in_dim3A_35 : vector<128x1xf32> to vector<128x10112xf32>
    %sub3A_75 = vector.broadcast %get3A_13 : vector<1x10112xf32> to vector<128x10112xf32>
    %sub3A_76 = arith.subf %sub3A_74, %sub3A_75 : vector<128x10112xf32>
    %integer_pow3A_77 = arith.mulf %sub3A_76, %sub3A_76 : vector<128x10112xf32>
    %add3A_78 = arith.addf %add3A_73, %integer_pow3A_77 : vector<128x10112xf32>
    %swap3A_79 = arith.constant 0 : index
    %swap3A_80 = arith.constant 0 : index
    %swap3A_81 = vector.load %arg10[%swap3A_79, %swap3A_80] : memref<128x10112xf32, #tpu.memory_space<vmem>>, vector<128x10112xf32>
    tpu.vector_store %arg10[%swap3A_79, %swap3A_80], %add3A_78 {strides = array<i32>} : memref<128x10112xf32, #tpu.memory_space<vmem>>, vector<128x10112xf32>,
    %iota3A_82 = tpu.iota {dimensions = array<i32: 1>} : vector<1x32xi32>
    %mul3A = arith.constant 10112 : i32
    %mul3A_83 = arith.muli %arg0, %mul3A : i32
    %broadcast_in_dim3A_84 = arith.constant 0 : i32
    %broadcast_in_dim3A_85 = vector.broadcast %broadcast_in_dim3A_84 : i32 to vector<128x32xi32>
    %scan3A = arith.constant 1073741824 : i32
    %scan3A_86 = arith.constant 0 : i32
    %scan3A_87 = arith.constant 32 : i32
    %scan3A_88 = arith.addi %scan3A_86, %scan3A_87 : i32
    %scan3A_89 = arith.constant 1 : i32
    %scan3A_90 = scf.for %scan3A_98 = %scan3A_86 to %scan3A_88 step %scan3A_89 iter_args(%scan3A_99 = %broadcast_in_dim3A_85) -> (vector<128x32xi32>)  : i32 {
      %get3A_100 = arith.constant 0 : index
      %get3A_101 = arith.constant 0 : index
      %get3A_102 = vector.load %arg10[%get3A_100, %get3A_101] : memref<128x10112xf32, #tpu.memory_space<vmem>>, vector<128x10112xf32>
      %reduce_min3A = arith.constant dense<0x7F800000> : vector<128xf32>
      %reduce_min3A_103 = vector.multi_reduction <minimumf>, %get3A_102, %reduce_min3A [1] : vector<128x10112xf32> to vector<128xf32>
      %broadcast_in_dim3A_104 = vector.shape_cast %reduce_min3A_103 : vector<128xf32> to vector<128x1xf32>
      %eq3A_105 = vector.broadcast %broadcast_in_dim3A_104 : vector<128x1xf32> to vector<128x10112xf32>
      %eq3A_106 = arith.cmpf oeq, %get3A_102, %eq3A_105 : vector<128x10112xf32>
      %broadcast_in_dim3A_107 = vector.shape_cast %iota3A : vector<1x10112xi32> to vector<1x10112xi32>
      %broadcast_in_dim3A_108 = vector.broadcast %broadcast_in_dim3A_107 : vector<1x10112xi32> to vector<128x10112xi32>
      %broadcast_in_dim3A_109 = vector.broadcast %scan3A : i32 to vector<128x10112xi32>
      %select_n3A_110 = arith.select %eq3A_106, %broadcast_in_dim3A_108, %broadcast_in_dim3A_109 : vector<128x10112xi1>, vector<128x10112xi32>
      %reduce_min3A_111 = arith.constant dense<2147483647> : vector<128xi32>
      %reduce_min3A_112 = vector.multi_reduction <minsi>, %select_n3A_110, %reduce_min3A_111 [1] : vector<128x10112xi32> to vector<128xi32>
      %broadcast_in_dim3A_113 = vector.shape_cast %reduce_min3A_112 : vector<128xi32> to vector<128x1xi32>
      %eq3A_114 = vector.broadcast %iota3A : vector<1x10112xi32> to vector<128x10112xi32>
      %eq3A_115 = vector.broadcast %broadcast_in_dim3A_113 : vector<128x1xi32> to vector<128x10112xi32>
      %eq3A_116 = arith.cmpi eq, %eq3A_114, %eq3A_115 : vector<128x10112xi32>
      %jit3A = arith.constant 1.000000e+09 : f32
      %broadcast_in_dim3A_117 = vector.broadcast %jit3A : f32 to vector<128x10112xf32>
      %select_n3A_118 = arith.select %eq3A_116, %broadcast_in_dim3A_117, %get3A_102 : vector<128x10112xi1>, vector<128x10112xf32>
      %swap3A_119 = arith.constant 0 : index
      %swap3A_120 = arith.constant 0 : index
      %swap3A_121 = vector.load %arg10[%swap3A_119, %swap3A_120] : memref<128x10112xf32, #tpu.memory_space<vmem>>, vector<128x10112xf32>
      tpu.vector_store %arg10[%swap3A_119, %swap3A_120], %select_n3A_118 {strides = array<i32>} : memref<128x10112xf32, #tpu.memory_space<vmem>>, vector<128x10112xf32>,
      %eq3A_122 = vector.broadcast %scan3A_98 : i32 to vector<1x32xi32>
      %eq3A_123 = arith.cmpi eq, %iota3A_82, %eq3A_122 : vector<1x32xi32>
      %add3A_124 = vector.broadcast %mul3A_83 : i32 to vector<128x1xi32>
      %add3A_125 = arith.addi %broadcast_in_dim3A_113, %add3A_124 : vector<128x1xi32>
      %broadcast_in_dim3A_126 = vector.shape_cast %eq3A_123 : vector<1x32xi1> to vector<1x32xi1>
      %broadcast_in_dim3A_127 = vector.broadcast %broadcast_in_dim3A_126 : vector<1x32xi1> to vector<128x32xi1>
      %broadcast_in_dim3A_128 = vector.shape_cast %add3A_125 : vector<128x1xi32> to vector<128x1xi32>
      %broadcast_in_dim3A_129 = vector.broadcast %broadcast_in_dim3A_128 : vector<128x1xi32> to vector<128x32xi32>
      %select_n3A_130 = arith.select %broadcast_in_dim3A_127, %broadcast_in_dim3A_129, %scan3A_99 : vector<128x32xi1>, vector<128x32xi32>
      scf.yield %select_n3A_130 : vector<128x32xi32>
    }
    %scan3A_91 = arith.constant 32 : i32
    %swap3A_92 = arith.constant 0 : index
    %swap3A_93 = arith.constant 0 : index
    %swap3A_94 = arith.constant 0 : index
    %swap3A_95 = vector.load %arg9[%swap3A_92, %swap3A_93, %swap3A_94] : memref<1x128x32xi32, #tpu.memory_space<vmem>>, vector<1x128x32xi32>
    %swap3A_96 = vector.shape_cast %swap3A_95 : vector<1x128x32xi32> to vector<128x32xi32>
    %swap3A_97 = vector.shape_cast %scan3A_90 : vector<128x32xi32> to vector<1x128x32xi32>
    tpu.vector_store %arg9[%swap3A_92, %swap3A_93, %swap3A_94], %swap3A_97 {strides = array<i32>} : memref<1x128x32xi32, #tpu.memory_space<vmem>>, vector<1x128x32xi32>,
    return
  }
  func.func @transform_0(%arg0: i32) -> (i32, i32, i32) {
    %c0_i32 = arith.constant 0 : i32
    %c0_i32_0 = arith.constant 0 : i32
    %c0_i32_1 = arith.constant 0 : i32
    return %arg0, %c0_i32, %c0_i32_0 : i32, i32, i32
  }
  func.func @transform_1(%arg0: i32) -> (i32, i32) {
    %c0_i32 = arith.constant 0 : i32
    %c0_i32_0 = arith.constant 0 : i32
    %c0_i32_1 = arith.constant 0 : i32
    return %c0_i32, %c0_i32_0 : i32, i32
  }
  func.func @transform_2(%arg0: i32) -> (i32, i32) {
    %c0_i32 = arith.constant 0 : i32
    %c0_i32_0 = arith.constant 0 : i32
    %c0_i32_1 = arith.constant 0 : i32
    return %c0_i32, %c0_i32_0 : i32, i32
  }
  func.func @transform_3(%arg0: i32) -> (i32, i32) {
    %c0_i32 = arith.constant 0 : i32
    %c0_i32_0 = arith.constant 0 : i32
    %c0_i32_1 = arith.constant 0 : i32
    return %c0_i32, %c0_i32_0 : i32, i32
  }
  func.func @transform_4(%arg0: i32) -> (i32, i32) {
    %c0_i32 = arith.constant 0 : i32
    %c0_i32_0 = arith.constant 0 : i32
    %c0_i32_1 = arith.constant 0 : i32
    return %c0_i32, %c0_i32_0 : i32, i32
  }
  func.func @transform_5(%arg0: i32) -> (i32, i32) {
    %c0_i32 = arith.constant 0 : i32
    %c0_i32_0 = arith.constant 0 : i32
    %c0_i32_1 = arith.constant 0 : i32
    return %c0_i32, %c0_i32_0 : i32, i32
  }
  func.func @transform_6(%arg0: i32) -> (i32, i32, i32) {
    %c0_i32 = arith.constant 0 : i32
    %c0_i32_0 = arith.constant 0 : i32
    %c0_i32_1 = arith.constant 0 : i32
    return %arg0, %c0_i32, %c0_i32_0 : i32, i32, i32
  }
  func.func @transform_7(%arg0: i32) -> (i32, i32, i32) {
    %c0_i32 = arith.constant 0 : i32
    %c0_i32_0 = arith.constant 0 : i32
    %c0_i32_1 = arith.constant 0 : i32
    return %arg0, %c0_i32, %c0_i32_0 : i32, i32, i32
  }
  func.func @transform_8(%arg0: i32) -> (i32, i32, i32) {
    %c0_i32 = arith.constant 0 : i32
    %c0_i32_0 = arith.constant 0 : i32
    %c0_i32_1 = arith.constant 0 : i32
    return %arg0, %c0_i32, %c0_i32_0 : i32, i32, i32
  }
}

module attributes {stable_mosaic.version = 14 : i64} {
  func.func @_knn2_kernel(%arg0: i32, %arg1: i32, %arg2: memref<1x512x4xf32, #tpu.memory_space<vmem>>, %arg3: memref<1x512x4xf32, #tpu.memory_space<vmem>>, %arg4: memref<1x512x128xf32, #tpu.memory_space<vmem>>, %arg5: memref<1x8x10112xf32, #tpu.memory_space<vmem>>, %arg6: memref<3x128xf32, #tpu.memory_space<vmem>>, %arg7: memref<128x128xf32, #tpu.memory_space<vmem>>, %arg8: memref<1x128xf32, #tpu.memory_space<vmem>>, %arg9: memref<128x3xf32, #tpu.memory_space<vmem>>, %arg10: memref<1x3xf32, #tpu.memory_space<vmem>>, %arg11: memref<1x1xf32, #tpu.memory_space<smem>>) attributes {dimension_semantics = [#tpu.dimension_semantics<arbitrary>, #tpu.dimension_semantics<arbitrary>], iteration_bounds = array<i64: 2, 8>, scalar_prefetch = 0 : i64, scratch_operands = 0 : i64, tpu.core_type = #tpu.core_type<tc>, window_params = [{transform_indices = @transform_0, window_bounds = array<i64: 1, 512, 4>}, {transform_indices = @transform_1, window_bounds = array<i64: 1, 512, 4>}, {transform_indices = @transform_2, window_bounds = array<i64: 1, 512, 128>}, {transform_indices = @transform_3, window_bounds = array<i64: 1, 8, 10112>}, {pipeline_mode = #tpu.pipeline_mode<synchronous>, transform_indices = @transform_4, window_bounds = array<i64: 3, 128>}, {pipeline_mode = #tpu.pipeline_mode<synchronous>, transform_indices = @transform_5, window_bounds = array<i64: 128, 128>}, {pipeline_mode = #tpu.pipeline_mode<synchronous>, transform_indices = @transform_6, window_bounds = array<i64: 1, 128>}, {pipeline_mode = #tpu.pipeline_mode<synchronous>, transform_indices = @transform_7, window_bounds = array<i64: 128, 3>}, {pipeline_mode = #tpu.pipeline_mode<synchronous>, transform_indices = @transform_8, window_bounds = array<i64: 1, 3>}, {transform_indices = @transform_9, window_bounds = array<i64: 1, 1>}]} {
    %eq3A = arith.constant 0 : i32
    %eq3A_0 = arith.cmpi eq, %arg0, %eq3A : i32
    %eq3A_1 = arith.constant 0 : i32
    %eq3A_2 = arith.cmpi eq, %arg1, %eq3A_1 : i32
    %and3A = arith.andi %eq3A_0, %eq3A_2 : i1
    %convert_element_type3A = arith.extui %and3A : i1 to i32
    %cond3A = arith.constant 0 : i32
    %cond3A_3 = arith.cmpi ne, %convert_element_type3A, %cond3A : i32
    scf.if %cond3A_3 {
      %swap3A_151 = arith.constant 0.000000e+00 : f32
      %swap3A_152 = arith.constant 0 : index
      %swap3A_153 = arith.constant 0 : index
      %swap3A_154 = memref.load %arg11[%swap3A_152, %swap3A_153] : memref<1x1xf32, #tpu.memory_space<smem>>
      memref.store %swap3A_151, %arg11[%swap3A_152, %swap3A_153] : memref<1x1xf32, #tpu.memory_space<smem>>
    } else {
    }
    %get3A = arith.constant 0 : index
    %get3A_4 = arith.constant 0 : index
    %get3A_5 = arith.constant 0 : index
    %get3A_6 = vector.load %arg2[%get3A, %get3A_4, %get3A_5] : memref<1x512x4xf32, #tpu.memory_space<vmem>>, vector<1x512x4xf32>
    %get3A_7 = vector.shape_cast %get3A_6 : vector<1x512x4xf32> to vector<512x4xf32>
    %get3A_8 = arith.constant 0 : index
    %get3A_9 = arith.constant 0 : index
    %get3A_10 = arith.constant 0 : index
    %get3A_11 = vector.load %arg3[%get3A_8, %get3A_9, %get3A_10] : memref<1x512x4xf32, #tpu.memory_space<vmem>>, vector<1x512x4xf32>
    %get3A_12 = vector.shape_cast %get3A_11 : vector<1x512x4xf32> to vector<512x4xf32>
    %sub3A = arith.subf %get3A_7, %get3A_12 : vector<512x4xf32>
    %slice3A = vector.extract_strided_slice %sub3A {offsets = [0, 0], sizes = [512, 3], strides = [1, 1]} : vector<512x4xf32> to vector<512x3xf32>
    %get3A_13 = arith.constant 0 : index
    %get3A_14 = arith.constant 0 : index
    %get3A_15 = vector.load %arg6[%get3A_13, %get3A_14] : memref<3x128xf32, #tpu.memory_space<vmem>>, vector<3x128xf32>
    %dot_general3A = arith.constant dense<0.000000e+00> : vector<512x128xf32>
    %dot_general3A_16 = tpu.matmul %slice3A, %get3A_15, %dot_general3A {dimension_numbers = #tpu.dot_dimension_numbers<[1], [0], [0], [1], [0, 0, 1, 1], [], []>, precision = #tpu.contract_precision<fp32>, transpose_lhs_hint = false} : vector<512x3xf32>, vector<3x128xf32>, vector<512x128xf32> -> vector<512x128xf32>
    %get3A_17 = arith.constant 0 : index
    %get3A_18 = arith.constant 0 : index
    %get3A_19 = arith.constant 0 : index
    %get3A_20 = vector.load %arg4[%get3A_17, %get3A_18, %get3A_19] : memref<1x512x128xf32, #tpu.memory_space<vmem>>, vector<1x512x128xf32>
    %get3A_21 = vector.shape_cast %get3A_20 : vector<1x512x128xf32> to vector<512x128xf32>
    %get3A_22 = arith.constant 0 : index
    %get3A_23 = arith.constant 0 : index
    %get3A_24 = vector.load %arg7[%get3A_22, %get3A_23] : memref<128x128xf32, #tpu.memory_space<vmem>>, vector<128x128xf32>
    %dot_general3A_25 = arith.constant dense<0.000000e+00> : vector<512x128xf32>
    %dot_general3A_26 = tpu.matmul %get3A_21, %get3A_24, %dot_general3A_25 {dimension_numbers = #tpu.dot_dimension_numbers<[1], [0], [0], [1], [0, 0, 1, 1], [], []>, precision = #tpu.contract_precision<fp32>, transpose_lhs_hint = false} : vector<512x128xf32>, vector<128x128xf32>, vector<512x128xf32> -> vector<512x128xf32>
    %add3A = arith.addf %dot_general3A_16, %dot_general3A_26 : vector<512x128xf32>
    %get3A_27 = arith.constant 0 : index
    %get3A_28 = arith.constant 0 : index
    %get3A_29 = vector.load %arg8[%get3A_27, %get3A_28] : memref<1x128xf32, #tpu.memory_space<vmem>>, vector<1x128xf32>
    %add3A_30 = vector.broadcast %get3A_29 : vector<1x128xf32> to vector<512x128xf32>
    %add3A_31 = arith.addf %add3A, %add3A_30 : vector<512x128xf32>
    %max3A = arith.constant 0.000000e+00 : f32
    %max3A_32 = vector.broadcast %max3A : f32 to vector<512x128xf32>
    %max3A_33 = arith.maximumf %add3A_31, %max3A_32 : vector<512x128xf32>
    %get3A_34 = arith.constant 0 : index
    %get3A_35 = arith.constant 0 : index
    %get3A_36 = vector.load %arg9[%get3A_34, %get3A_35] : memref<128x3xf32, #tpu.memory_space<vmem>>, vector<128x3xf32>
    %dot_general3A_37 = arith.constant dense<0.000000e+00> : vector<512x3xf32>
    %dot_general3A_38 = tpu.matmul %max3A_33, %get3A_36, %dot_general3A_37 {dimension_numbers = #tpu.dot_dimension_numbers<[1], [0], [0], [1], [0, 0, 1, 1], [], []>, precision = #tpu.contract_precision<fp32>, transpose_lhs_hint = false} : vector<512x128xf32>, vector<128x3xf32>, vector<512x3xf32> -> vector<512x3xf32>
    %get3A_39 = arith.constant 0 : index
    %get3A_40 = arith.constant 0 : index
    %get3A_41 = vector.load %arg10[%get3A_39, %get3A_40] : memref<1x3xf32, #tpu.memory_space<vmem>>, vector<1x3xf32>
    %add3A_42 = vector.broadcast %get3A_41 : vector<1x3xf32> to vector<512x3xf32>
    %add3A_43 = arith.addf %dot_general3A_38, %add3A_42 : vector<512x3xf32>
    %get3A_44 = arith.constant 0 : index
    %get3A_45 = arith.constant 0 : index
    %get3A_46 = arith.constant 0 : index
    %get3A_47 = vector.load %arg5[%get3A_44, %get3A_45, %get3A_46] : memref<1x8x10112xf32, #tpu.memory_space<vmem>>, vector<1x1x10112xf32>
    %get3A_48 = vector.shape_cast %get3A_47 : vector<1x1x10112xf32> to vector<1x10112xf32>
    %get3A_49 = arith.constant 0 : index
    %get3A_50 = arith.constant 1 : index
    %get3A_51 = arith.constant 0 : index
    %get3A_52 = vector.load %arg5[%get3A_49, %get3A_50, %get3A_51] : memref<1x8x10112xf32, #tpu.memory_space<vmem>>, vector<1x1x10112xf32>
    %get3A_53 = vector.shape_cast %get3A_52 : vector<1x1x10112xf32> to vector<1x10112xf32>
    %get3A_54 = arith.constant 0 : index
    %get3A_55 = arith.constant 2 : index
    %get3A_56 = arith.constant 0 : index
    %get3A_57 = vector.load %arg5[%get3A_54, %get3A_55, %get3A_56] : memref<1x8x10112xf32, #tpu.memory_space<vmem>>, vector<1x1x10112xf32>
    %get3A_58 = vector.shape_cast %get3A_57 : vector<1x1x10112xf32> to vector<1x10112xf32>
    %slice3A_59 = vector.extract_strided_slice %get3A_7 {offsets = [0, 0], sizes = [512, 1], strides = [1, 1]} : vector<512x4xf32> to vector<512x1xf32>
    %slice3A_60 = vector.extract_strided_slice %get3A_7 {offsets = [0, 1], sizes = [512, 1], strides = [1, 1]} : vector<512x4xf32> to vector<512x1xf32>
    %slice3A_61 = vector.extract_strided_slice %get3A_7 {offsets = [0, 2], sizes = [512, 1], strides = [1, 1]} : vector<512x4xf32> to vector<512x1xf32>
    %sub3A_62 = vector.broadcast %slice3A_59 : vector<512x1xf32> to vector<512x10112xf32>
    %sub3A_63 = vector.broadcast %get3A_48 : vector<1x10112xf32> to vector<512x10112xf32>
    %sub3A_64 = arith.subf %sub3A_62, %sub3A_63 : vector<512x10112xf32>
    %integer_pow3A = arith.mulf %sub3A_64, %sub3A_64 : vector<512x10112xf32>
    %sub3A_65 = vector.broadcast %slice3A_60 : vector<512x1xf32> to vector<512x10112xf32>
    %sub3A_66 = vector.broadcast %get3A_53 : vector<1x10112xf32> to vector<512x10112xf32>
    %sub3A_67 = arith.subf %sub3A_65, %sub3A_66 : vector<512x10112xf32>
    %integer_pow3A_68 = arith.mulf %sub3A_67, %sub3A_67 : vector<512x10112xf32>
    %add3A_69 = arith.addf %integer_pow3A, %integer_pow3A_68 : vector<512x10112xf32>
    %sub3A_70 = vector.broadcast %slice3A_61 : vector<512x1xf32> to vector<512x10112xf32>
    %sub3A_71 = vector.broadcast %get3A_58 : vector<1x10112xf32> to vector<512x10112xf32>
    %sub3A_72 = arith.subf %sub3A_70, %sub3A_71 : vector<512x10112xf32>
    %integer_pow3A_73 = arith.mulf %sub3A_72, %sub3A_72 : vector<512x10112xf32>
    %add3A_74 = arith.addf %add3A_69, %integer_pow3A_73 : vector<512x10112xf32>
    %reduce_min3A = arith.constant dense<0x7F800000> : vector<512xf32>
    %reduce_min3A_75 = vector.multi_reduction <minimumf>, %add3A_74, %reduce_min3A [1] : vector<512x10112xf32> to vector<512xf32>
    %broadcast_in_dim3A = vector.shape_cast %reduce_min3A_75 : vector<512xf32> to vector<512x1xf32>
    %gt3A = vector.broadcast %broadcast_in_dim3A : vector<512x1xf32> to vector<512x10112xf32>
    %gt3A_76 = arith.cmpf ogt, %add3A_74, %gt3A : vector<512x10112xf32>
    %jit3A = arith.constant 1.000000e+09 : f32
    %broadcast_in_dim3A_77 = vector.broadcast %jit3A : f32 to vector<512x10112xf32>
    %select_n3A = arith.select %gt3A_76, %add3A_74, %broadcast_in_dim3A_77 : vector<512x10112xi1>, vector<512x10112xf32>
    %reduce_min3A_78 = arith.constant dense<0x7F800000> : vector<512xf32>
    %reduce_min3A_79 = vector.multi_reduction <minimumf>, %select_n3A, %reduce_min3A_78 [1] : vector<512x10112xf32> to vector<512xf32>
    %broadcast_in_dim3A_80 = vector.shape_cast %reduce_min3A_79 : vector<512xf32> to vector<512x1xf32>
    %gt3A_81 = vector.broadcast %broadcast_in_dim3A_80 : vector<512x1xf32> to vector<512x10112xf32>
    %gt3A_82 = arith.cmpf ogt, %add3A_74, %gt3A_81 : vector<512x10112xf32>
    %jit3A_83 = arith.constant 1.000000e+09 : f32
    %broadcast_in_dim3A_84 = vector.broadcast %jit3A_83 : f32 to vector<512x10112xf32>
    %select_n3A_85 = arith.select %gt3A_82, %add3A_74, %broadcast_in_dim3A_84 : vector<512x10112xi1>, vector<512x10112xf32>
    %reduce_min3A_86 = arith.constant dense<0x7F800000> : vector<512xf32>
    %reduce_min3A_87 = vector.multi_reduction <minimumf>, %select_n3A_85, %reduce_min3A_86 [1] : vector<512x10112xf32> to vector<512xf32>
    %broadcast_in_dim3A_88 = vector.shape_cast %reduce_min3A_87 : vector<512xf32> to vector<512x1xf32>
    %gt3A_89 = vector.broadcast %broadcast_in_dim3A_88 : vector<512x1xf32> to vector<512x10112xf32>
    %gt3A_90 = arith.cmpf ogt, %add3A_74, %gt3A_89 : vector<512x10112xf32>
    %jit3A_91 = arith.constant 1.000000e+09 : f32
    %broadcast_in_dim3A_92 = vector.broadcast %jit3A_91 : f32 to vector<512x10112xf32>
    %select_n3A_93 = arith.select %gt3A_90, %add3A_74, %broadcast_in_dim3A_92 : vector<512x10112xi1>, vector<512x10112xf32>
    %reduce_min3A_94 = arith.constant dense<0x7F800000> : vector<512xf32>
    %reduce_min3A_95 = vector.multi_reduction <minimumf>, %select_n3A_93, %reduce_min3A_94 [1] : vector<512x10112xf32> to vector<512xf32>
    %broadcast_in_dim3A_96 = vector.shape_cast %reduce_min3A_95 : vector<512xf32> to vector<512x1xf32>
    %le3A = vector.broadcast %broadcast_in_dim3A_96 : vector<512x1xf32> to vector<512x10112xf32>
    %le3A_97 = arith.cmpf ole, %add3A_74, %le3A : vector<512x10112xf32>
    %broadcast_in_dim3A_98 = arith.constant 0.000000e+00 : f32
    %broadcast_in_dim3A_99 = vector.broadcast %broadcast_in_dim3A_98 : f32 to vector<512x10112xf32>
    %broadcast_in_dim3A_100 = arith.constant 1.000000e+00 : f32
    %broadcast_in_dim3A_101 = vector.broadcast %broadcast_in_dim3A_100 : f32 to vector<512x10112xf32>
    %select_n3A_102 = arith.select %le3A_97, %broadcast_in_dim3A_101, %broadcast_in_dim3A_99 : vector<512x10112xi1>, vector<512x10112xf32>
    %reduce_sum3A = arith.constant dense<0.000000e+00> : vector<512xf32>
    %reduce_sum3A_103 = vector.multi_reduction <add>, %select_n3A_102, %reduce_sum3A [1] : vector<512x10112xf32> to vector<512xf32>
    %broadcast_in_dim3A_104 = vector.shape_cast %reduce_sum3A_103 : vector<512xf32> to vector<512x1xf32>
    %broadcast_in_dim3A_105 = vector.shape_cast %get3A_48 : vector<1x10112xf32> to vector<1x10112xf32>
    %broadcast_in_dim3A_106 = vector.broadcast %broadcast_in_dim3A_105 : vector<1x10112xf32> to vector<512x10112xf32>
    %select_n3A_107 = arith.select %le3A_97, %broadcast_in_dim3A_106, %broadcast_in_dim3A_99 : vector<512x10112xi1>, vector<512x10112xf32>
    %reduce_sum3A_108 = arith.constant dense<0.000000e+00> : vector<512xf32>
    %reduce_sum3A_109 = vector.multi_reduction <add>, %select_n3A_107, %reduce_sum3A_108 [1] : vector<512x10112xf32> to vector<512xf32>
    %broadcast_in_dim3A_110 = vector.shape_cast %reduce_sum3A_109 : vector<512xf32> to vector<512x1xf32>
    %broadcast_in_dim3A_111 = vector.shape_cast %get3A_53 : vector<1x10112xf32> to vector<1x10112xf32>
    %broadcast_in_dim3A_112 = vector.broadcast %broadcast_in_dim3A_111 : vector<1x10112xf32> to vector<512x10112xf32>
    %select_n3A_113 = arith.select %le3A_97, %broadcast_in_dim3A_112, %broadcast_in_dim3A_99 : vector<512x10112xi1>, vector<512x10112xf32>
    %reduce_sum3A_114 = arith.constant dense<0.000000e+00> : vector<512xf32>
    %reduce_sum3A_115 = vector.multi_reduction <add>, %select_n3A_113, %reduce_sum3A_114 [1] : vector<512x10112xf32> to vector<512xf32>
    %broadcast_in_dim3A_116 = vector.shape_cast %reduce_sum3A_115 : vector<512xf32> to vector<512x1xf32>
    %broadcast_in_dim3A_117 = vector.shape_cast %get3A_58 : vector<1x10112xf32> to vector<1x10112xf32>
    %broadcast_in_dim3A_118 = vector.broadcast %broadcast_in_dim3A_117 : vector<1x10112xf32> to vector<512x10112xf32>
    %select_n3A_119 = arith.select %le3A_97, %broadcast_in_dim3A_118, %broadcast_in_dim3A_99 : vector<512x10112xi1>, vector<512x10112xf32>
    %reduce_sum3A_120 = arith.constant dense<0.000000e+00> : vector<512xf32>
    %reduce_sum3A_121 = vector.multi_reduction <add>, %select_n3A_119, %reduce_sum3A_120 [1] : vector<512x10112xf32> to vector<512xf32>
    %broadcast_in_dim3A_122 = vector.shape_cast %reduce_sum3A_121 : vector<512xf32> to vector<512x1xf32>
    %div3A = arith.divf %broadcast_in_dim3A_110, %broadcast_in_dim3A_104 : vector<512x1xf32>
    %sub3A_123 = arith.subf %div3A, %slice3A_59 : vector<512x1xf32>
    %div3A_124 = arith.divf %broadcast_in_dim3A_116, %broadcast_in_dim3A_104 : vector<512x1xf32>
    %sub3A_125 = arith.subf %div3A_124, %slice3A_60 : vector<512x1xf32>
    %div3A_126 = arith.divf %broadcast_in_dim3A_122, %broadcast_in_dim3A_104 : vector<512x1xf32>
    %sub3A_127 = arith.subf %div3A_126, %slice3A_61 : vector<512x1xf32>
    %slice3A_128 = vector.extract_strided_slice %add3A_43 {offsets = [0, 0], sizes = [512, 1], strides = [1, 1]} : vector<512x3xf32> to vector<512x1xf32>
    %slice3A_129 = vector.extract_strided_slice %add3A_43 {offsets = [0, 1], sizes = [512, 1], strides = [1, 1]} : vector<512x3xf32> to vector<512x1xf32>
    %slice3A_130 = vector.extract_strided_slice %add3A_43 {offsets = [0, 2], sizes = [512, 1], strides = [1, 1]} : vector<512x3xf32> to vector<512x1xf32>
    %sub3A_131 = arith.subf %slice3A_128, %sub3A_123 : vector<512x1xf32>
    %integer_pow3A_132 = arith.mulf %sub3A_131, %sub3A_131 : vector<512x1xf32>
    %sub3A_133 = arith.subf %slice3A_129, %sub3A_125 : vector<512x1xf32>
    %integer_pow3A_134 = arith.mulf %sub3A_133, %sub3A_133 : vector<512x1xf32>
    %add3A_135 = arith.addf %integer_pow3A_132, %integer_pow3A_134 : vector<512x1xf32>
    %sub3A_136 = arith.subf %slice3A_130, %sub3A_127 : vector<512x1xf32>
    %integer_pow3A_137 = arith.mulf %sub3A_136, %sub3A_136 : vector<512x1xf32>
    %add3A_138 = arith.addf %add3A_135, %integer_pow3A_137 : vector<512x1xf32>
    %get3A_139 = arith.constant 0 : index
    %get3A_140 = arith.constant 0 : index
    %get3A_141 = memref.load %arg11[%get3A_139, %get3A_140] : memref<1x1xf32, #tpu.memory_space<smem>>
    %reduce_sum3A_142 = vector.shape_cast %add3A_138 : vector<512x1xf32> to vector<1x512x1xf32>
    %reduce_sum3A_143 = arith.constant dense<0.000000e+00> : vector<1xf32>
    %reduce_sum3A_144 = vector.multi_reduction <add>, %reduce_sum3A_142, %reduce_sum3A_143 [1, 2] : vector<1x512x1xf32> to vector<1xf32>
    %reduce_sum3A_145 = vector.shape_cast %reduce_sum3A_144 : vector<1xf32> to vector<1x1x1xf32>
    %reduce_sum3A_146 = vector.extract %reduce_sum3A_145[0, 0, 0] : f32 from vector<1x1x1xf32>
    %mul3A = arith.constant 0.00610351563 : f32
    %mul3A_147 = arith.mulf %reduce_sum3A_146, %mul3A : f32
    %add3A_148 = arith.addf %get3A_141, %mul3A_147 : f32
    %swap3A = arith.constant 0 : index
    %swap3A_149 = arith.constant 0 : index
    %swap3A_150 = memref.load %arg11[%swap3A, %swap3A_149] : memref<1x1xf32, #tpu.memory_space<smem>>
    memref.store %add3A_148, %arg11[%swap3A, %swap3A_149] : memref<1x1xf32, #tpu.memory_space<smem>>
    return
  }
  func.func @transform_0(%arg0: i32, %arg1: i32) -> (i32, i32, i32) {
    %c0_i32 = arith.constant 0 : i32
    %c0_i32_0 = arith.constant 0 : i32
    return %arg0, %arg1, %c0_i32 : i32, i32, i32
  }
  func.func @transform_1(%arg0: i32, %arg1: i32) -> (i32, i32, i32) {
    %c0_i32 = arith.constant 0 : i32
    %c0_i32_0 = arith.constant 0 : i32
    return %arg0, %arg1, %c0_i32 : i32, i32, i32
  }
  func.func @transform_2(%arg0: i32, %arg1: i32) -> (i32, i32, i32) {
    %c0_i32 = arith.constant 0 : i32
    %c0_i32_0 = arith.constant 0 : i32
    return %arg0, %arg1, %c0_i32 : i32, i32, i32
  }
  func.func @transform_3(%arg0: i32, %arg1: i32) -> (i32, i32, i32) {
    %c0_i32 = arith.constant 0 : i32
    %c0_i32_0 = arith.constant 0 : i32
    %c0_i32_1 = arith.constant 0 : i32
    return %arg0, %c0_i32, %c0_i32_0 : i32, i32, i32
  }
  func.func @transform_4(%arg0: i32, %arg1: i32) -> (i32, i32) {
    %c0_i32 = arith.constant 0 : i32
    %c0_i32_0 = arith.constant 0 : i32
    %c0_i32_1 = arith.constant 0 : i32
    return %c0_i32, %c0_i32_0 : i32, i32
  }
  func.func @transform_5(%arg0: i32, %arg1: i32) -> (i32, i32) {
    %c0_i32 = arith.constant 0 : i32
    %c0_i32_0 = arith.constant 0 : i32
    %c0_i32_1 = arith.constant 0 : i32
    return %c0_i32, %c0_i32_0 : i32, i32
  }
  func.func @transform_6(%arg0: i32, %arg1: i32) -> (i32, i32) {
    %c0_i32 = arith.constant 0 : i32
    %c0_i32_0 = arith.constant 0 : i32
    %c0_i32_1 = arith.constant 0 : i32
    return %c0_i32, %c0_i32_0 : i32, i32
  }
  func.func @transform_7(%arg0: i32, %arg1: i32) -> (i32, i32) {
    %c0_i32 = arith.constant 0 : i32
    %c0_i32_0 = arith.constant 0 : i32
    %c0_i32_1 = arith.constant 0 : i32
    return %c0_i32, %c0_i32_0 : i32, i32
  }
  func.func @transform_8(%arg0: i32, %arg1: i32) -> (i32, i32) {
    %c0_i32 = arith.constant 0 : i32
    %c0_i32_0 = arith.constant 0 : i32
    %c0_i32_1 = arith.constant 0 : i32
    return %c0_i32, %c0_i32_0 : i32, i32
  }
  func.func @transform_9(%arg0: i32, %arg1: i32) -> (i32, i32) {
    %c0_i32 = arith.constant 0 : i32
    %c0_i32_0 = arith.constant 0 : i32
    %c0_i32_1 = arith.constant 0 : i32
    return %c0_i32, %c0_i32_0 : i32, i32
  }
}

</mosaic_0001>

<sc_bundles>
// kernel: kernel.5.cloned.1.call-start
scs
__scs_entry_jumppad:
0x0: {  	(pc) =	sbr.rel $0x88, $3  }
0x1: {  	(tag) =	ssettag $0x0;
	lr =	simm.s32 $0x1  }
0x2: {  	[smem:$0x3F96] =	sst lr;
	_ =	strace $0xD0000000  }
0x3: {  	_ = 	snop  }
0x4: {  	_ = 	snop  }
0x5: {  	_ = 	snop  }
0x6: {  	_ = 	snop  }
0x7: {  	_ = 	snop  }
__scs_overlays_trampoline_lowered:
0x8: {  	[smem:$0x3FA5] =	sst s0  }
0x9: {  	[smem:$0x3FA6] =	sst s1  }
0xa: {  	[smem:$0x3FA7] =	sst s2  }
0xb: {  	[smem:$0x3FA8] =	sst s3  }
0xc: {  	[smem:$0x3FA9] =	sst s4  }
0xd: {  	[smem:$0x3FAA] =	sst s5  }
0xe: {  	[smem:$0x3FAB] =	sst s6  }
0xf: {  	[smem:$0x3FAC] =	sst s7  }
0x10: {  	[smem:$0x3FAD] =	sst s8  }
0x11: {  	[smem:$0x3FAE] =	sst s9;
	s0 =	simm.s32 @!p0 $0x0  }
0x12: {  	s1 =	sld [smem:$0x3F94];
	s0 =	simm.s32 @p0 $0x1  }
0x13: {  	[smem:$0x3FAF] =	sst s0;
	s0 =	simm.s32 @!p1 $0x0  }
0x14: {  	s2 =	sld [smem:$0x3F93];
	s0 =	simm.s32 @p1 $0x1  }
0x15: {  	[smem:$0x3FB0] =	sst s0;
	s0 =	simm.s32 @!p2 $0x0  }
0x16: {  	s3 =	sld [smem:$0x3FDB];
	s0 =	simm.s32 @p2 $0x1  }
0x17: {  	s4 =	simm.s32 $0x1BF5;
	[smem:$0x3FB2] =	sst s0  }
0x18: {  	s0 =	sld [smem:$0x3F95];
	_ =	swait.ge [sflag:s4], $0x0  }
0x19: {  	s7 =	sld [smem:$0x3F96]  }
0x1a: {  	s8 =	sadd.s32 $0xFFFFE003, lr  }
0x1b: {  	s9 =	sadd.s32 $0xFFFFFEF7, lr;
	s5 =	simm.s32 $0xFFFFFFFF;
	p2 =	slt.u32 s8, $0xFFFFF086  }
0x1c: {  	p1 =	slt.u32 s9, $0xF7A;
	s5 =	simm.s32 @!p2 $0x0  }
0x1d: {  	s5 =	simm.s32 @p1 $0x1;
	p0 =	seq.s32 s7, s2  }
0x1e: {  	s7 =	smul.u32 @!p0 $0xF7A, s2;
	p2 =	seq.s32 @!p0 s5, $0x0  }
0x1f: {  	s9 =	smul.u32 $0xF7A, s1;
	s8 =	simm.s32 @!p0 $0x1BF5;
	p2 =	por !p2, p0  }
0x20: {  	[sflag:s8] =	ssyncset.s32 @!p0 $0xFFFFF086;
	s6 =	sadd.s32 @!p0 s3, s7;
	s7 =	simm.s32 @!p0 $0x108  }
0x21: {  	s3 =	sadd.s32 s3, s9;
	s6 =	sadd.s32 @!p0 $0x88, s6;
	s7 =	simm.s32 @p2 $0x1082  }
0x22: {  	[simem:s7], [sflag:s8] =	dma.local @!p0 [hbm:s6], $0xF7A  }
0x23: {  	s9 =	sor.u32 $0xD0000000, s2;
	s6 =	simm.s32 $0x108;
	_ =	swait.ge @!p0 [sflag:s8], $0x0  }
0x24: {  	s3 =	sadd.s32 $0x88, s3;
	s6 =	simm.s32 @!p1 $0x1082;
	[sflag:s4] =	ssyncset.s32 $0xFFFFF086  }
0x25: {  	[simem:s6], [sflag:s4] =	dma.local [hbm:s3], $0xF7A  }
0x26: {  	[smem:$0x3F96] =	sst s1;
	(tag) =	ssettag s2;
	_ =	strace s9  }
0x27: {  	s1 =	sld [smem:$0x3FA6]  }
0x28: {  	s2 =	sld [smem:$0x3FA7]  }
0x29: {  	s4 =	sld [smem:$0x3FA9]  }
0x2a: {  	p0 =	seq.s32 s5, $0x0;
	s5 =	sld [smem:$0x3FAA]  }
0x2b: {  	s6 =	sld [smem:$0x3FAB]  }
0x2c: {  	s7 =	sld [smem:$0x3FAC]  }
0x2d: {  	s3 =	simm.s32 $0x108;
	s8 =	sld [smem:$0x3FAD]  }
0x2e: {  	s3 =	simm.s32 @!p0 $0x1082;
	s9 =	sld [smem:$0x3FAE]  }
0x2f: {  	lr =	sadd.s32 s0, s3;
	s0 =	sld [smem:$0x3FA5]  }
0x30: {  	s3 =	sld [smem:$0x3FA8]  }
0x31: {  	[smem:$0x3FB1] =	sst s10  }
0x32: {  	s10 =	sld [smem:$0x3FAF];
	_ =	sdelay $0x3  }
0x33: {  	p0 =	seq.s32 s10, $0x1;
	s10 =	sld [smem:$0x3FB1];
	_ =	sdelay $0x3  }
0x34: {  	[smem:$0x3FB1] =	sst s10  }
0x35: {  	s10 =	sld [smem:$0x3FB0];
	_ =	sdelay $0x3  }
0x36: {  	p1 =	seq.s32 s10, $0x1;
	s10 =	sld [smem:$0x3FB1];
	_ =	sdelay $0x3  }
0x37: {  	[smem:$0x3FB1] =	sst s10  }
0x38: {  	s10 =	sld [smem:$0x3FB2]  }
0x39: {  	_ = 	snop;
	(pc) =	sbr.ind lr, $3  }
0x3a: {  	_ = 	snop  }
0x3b: {  	_ = 	snop  }
0x3c: {  	p2 =	seq.s32 s10, $0x1;
	s10 =	sld [smem:$0x3FB1]  }
0x3d: {  	_ =	shalt  }
0x3e: {  	_ =	shalt  }
0x3f: {  	_ =	shalt  }
0x40: {  	_ =	shalt  }
0x41: {  	_ =	shalt  }
0x42: {  	_ =	shalt  }
0x43: {  	_ =	shalt  }
0x44: {  	_ =	shalt  }
0x45: {  	_ =	shalt  }
0x46: {  	_ =	shalt  }
0x47: {  	_ =	shalt  }
0x48: {  	_ =	shalt  }
0x49: {  	_ =	shalt  }
0x4a: {  	_ =	shalt  }
0x4b: {  	_ =	shalt  }
0x4c: {  	_ =	shalt  }
0x4d: {  	_ =	shalt  }
0x4e: {  	_ =	shalt  }
0x4f: {  	_ =	shalt  }
0x50: {  	_ =	shalt  }
0x51: {  	_ =	shalt  }
0x52: {  	_ =	shalt  }
0x53: {  	_ =	shalt  }
0x54: {  	_ =	shalt  }
0x55: {  	_ =	shalt  }
0x56: {  	_ =	shalt  }
0x57: {  	_ =	shalt  }
0x58: {  	_ =	shalt  }
0x59: {  	_ =	shalt  }
0x5a: {  	_ =	shalt  }
0x5b: {  	_ =	shalt  }
0x5c: {  	_ =	shalt  }
0x5d: {  	_ =	shalt  }
0x5e: {  	_ =	shalt  }
0x5f: {  	_ =	shalt  }
0x60: {  	_ =	shalt  }
0x61: {  	_ =	shalt  }
0x62: {  	_ =	shalt  }
0x63: {  	_ =	shalt  }
0x64: {  	_ =	shalt  }
0x65: {  	_ =	shalt  }
0x66: {  	_ =	shalt  }
0x67: {  	_ =	shalt  }
0x68: {  	_ =	shalt  }
0x69: {  	_ =	shalt  }
0x6a: {  	_ =	shalt  }
0x6b: {  	_ =	shalt  }
0x6c: {  	_ =	shalt  }
0x6d: {  	_ =	shalt  }
0x6e: {  	_ =	shalt  }
0x6f: {  	_ =	shalt  }
0x70: {  	_ =	shalt  }
0x71: {  	_ =	shalt  }
0x72: {  	_ =	shalt  }
0x73: {  	_ =	shalt  }
0x74: {  	_ =	shalt  }
0x75: {  	_ =	shalt  }
0x76: {  	_ =	shalt  }
0x77: {  	_ =	shalt  }
0x78: {  	_ =	shalt  }
0x79: {  	_ =	shalt  }
0x7a: {  	_ =	shalt  }
0x7b: {  	_ =	shalt  }
0x7c: {  	_ =	shalt  }
0x7d: {  	_ =	shalt  }
0x7e: {  	_ =	shalt  }
0x7f: {  	_ =	shalt  }
0x80: {  	_ =	shalt  }
0x81: {  	_ =	shalt  }
0x82: {  	_ =	shalt  }
0x83: {  	_ =	shalt  }
0x84: {  	_ =	shalt  }
0x85: {  	_ =	shalt  }
0x86: {  	_ =	shalt  }
0x87: {  	_ =	shalt  }
.Lfunc_end0:
.L_simem_size_0:
called_computation_lowered:
.L_overlay_start_0:
0x88: {  	s2 =	sld [smem:$0x3FD9]  }
0x89: {  	s3 =	sld [smem:$0x3FFE];
	_ =	sdelay $0x1  }
0x8a: {  	s1 =	srdreg.scid  }
0x8b: {  	s0 =	sand.u32 $0x1, s1  }
0x8c: {  	s16 =	sshll.u32 s0, $0xA;
	s2 =	sadd.s32 s3, s2  }
0x8d: {  	s2 =	sadd.s32 s2, s16  }
0x8e: {  	[smem:$0x3FBD] =	sst s2  }
0x8f: {  	_ = 	snop  }
0x90: {  	(tm) =	ssettm $0x1  }
0x91: {  	s17 =	sld [smem:$0x3FFB];
	_ =	sdelay $0x3  }
0x92: {  	_ =	strace s17  }
0x93: {  	s2 =	sld [smem:$0x3FFC];
	_ =	sdelay $0x3  }
0x94: {  	_ =	strace s2  }
0x95: {  	s2 =	sld [smem:$0x3FFD];
	_ =	sdelay $0x3  }
0x96: {  	_ =	strace s2  }
0x97: {  	_ =	strace $0x8FFFFFFF  }
0x98: {  	s18 =	sld [smem:$0x3FDB];
	_ =	sdelay $0x1  }
0x99: {  	s19 =	simm.s32 $_scs_section_size  }
0x9a: {  	s4 =	simm.s32 $_size__tile_overlayer_lowered;
	s5 =	simm.s32 $_tile_overlayer_lowered  }
0x9b: {  	s22 =	simm.s32 $0x1BFF;
	s21 =	sshll.u32 s5, $0x1;
	s2 =	sadd.s32 s19, s18  }
0x9c: {  	s6 =	simm.s32 $0x0;
	s20 =	sshll.u32 s4, $0x1;
	s4 =	sadd.s32 s21, s2  }
0x9d: {  	[timem:s6], [sflag:s22] =	dma.local [hbm:s4], s20  }
0x9e: {  	_ =	swait.ge [sflag:s22], s20  }
0x9f: {  	s3 =	ssub.s32 $0x0, s20;
	[sflag:s22] =	ssyncset.done $0x0  }
0xa0: {  	[sflag:s22] =	ssyncadd.s32 s3;
	_ =	sdelay $0x1  }
0xa1: {  	s23 =	simm.s32 $0x1B8B  }
0xa2: {  	_ =	swait.ge [sflag:s23], $0x1  }
0xa3: {  	[sflag:s23] =	ssyncset.done $0x0  }
0xa4: {  	s25 =	simm.s32 $0x1B8E;
	s24 =	sld [smem:$0x3FFE];
	[sflag:s23] =	ssyncadd.s32 $0xFFFFFFFF  }
0xa5: {  	s26 =	simm.s32 $execute0_lowered;
	[smem:$0x3FD2] =	sst s25  }
0xa6: {  	s4 =	sshll.u32 s26, $0x1;
	_ =	strace $0x80000046;
	[dreg:$0x1] =	wrdreg $0xFFFFFFFF  }
0xa7: {  	s28 =	simm.s32 $_size_execute0_lowered;
	s2 =	sadd.s32 s2, s4;
	[dreg:$0x0] =	wrdreg $0x0  }
0xa8: {  	s4 =	sshll.u32 s28, $0x1;
	[dreg:$0x2] =	wrdreg s2  }
0xa9: {  	[dreg:$0x3] =	wrdreg s4  }
0xaa: {  	[dreg:$0x4] =	wrdreg $0xC0  }
0xab: {  	_ =	task [dreg:s6], $0x5FFFF  }
0xac: {  	[dreg:$0x1] =	wrdreg $0xFFFFFFFF  }
0xad: {  	[dreg:$0x0] =	wrdreg $0x60  }
0xae: {  	[dreg:$0x2] =	wrdreg s24  }
0xaf: {  	[dreg:$0x3] =	wrdreg $0x9  }
0xb0: {  	_ =	task.clear_ibuf [dreg:s6], $0x4FFFF;
	_ =	strace $0x90000046  }
0xb1: {  	s29 =	simm.s32 $0x9;
	_ =	strace $0x80000048  }
0xb2: {  	_ =	swait.ge [sflag:s29], $0x1  }
0xb3: {  	[sflag:s29] =	ssyncadd.s32 $0xFFFFFFFF  }
0xb4: {  	_ =	strace $0x90000048  }
0xb5: {  	_ =	sfence  }
0xb6: {  	s30 =	sld [smem:$0x0];
	_ =	sdelay $0x2  }
0xb7: {  	s31 =	sshll.u32 s1, $0xD;
	s1 =	sshrl.u32 s1, $0x2  }
0xb8: {  	s3 =	sand.u32 $0x4000, s31;
	s1 =	sadd.s32 s1, s30  }
0xb9: {  	s0 =	sor.u32 s3, s0;
	s1 =	sshll.u32 s1, $0x11  }
0xba: {  	s0 =	sor.u32 s1, s0  }
0xbb: {  	s0 =	sadd.s32 $0x8F2B, s0  }
0xbc: {  	[sflag:s0] =	ssyncadd.remote.s32 $0x1  }
0xbd: {  	_ =	sfence.sel $0xFFFF  }
0xbe: {  	[dreg:$0x0] =	wrdreg $0xFFFFFFFF;
	(pc) =	sbr.abs _section_cstart, $3  }
0xbf: {  	[dreg:$0x1] =	wrdreg $0xFFFFFFFF  }
0xc0: {  	_ =	task.clear_ibuf [dreg:s6], $0x2FFFF;
	_ =	strace $0x9FFFFFFF  }
0xc1: {  	(tm) =	ssettm $0x7FFFFFFF  }
tec
execute0_lowered:
.L_overlay_start_1:
0x0: {  	(tag) =	ssettag $0x1  }
0x1: {  	s1 =	srdreg.scid  }
0x2: {  	s0 =	stileid.u32;
	s6 =	sand.u32 $0x1, s1  }
0x3: {  	s8 =	rddreg [dreg:$0x0];
	s30 =	sshll.u32 s0, $0x9;
	s2 =	sshll.u32 s6, $0x8  }
0x4: {  	s7 =	simm.s32 $0x1;
	s1 =	rddreg [dreg:$0x1];
	s9 =	sor.u32 s2, s30  }
0x5: {  	s5 =	sadd.s32 $0x2000, s8;
	s2 =	simm.s32 $0x0;
	s3 =	sshrl.u32 s9, $0x3  }
0x6: {  	s10 =	ssub.s32 $0x2, s6;
	[smem:$0x7FF] =	sst s2;
	s3 =	sadd.s32 s3, s8  }
0x7: {  	_ =	strace $0x80000047;
	s4 =	sadd.s32 $0x1C00, s3;
	s3 =	simm.s32 $0x2  }
0x8: {  	[tilespmem:s2], [sflag:$0x2] =	stream.linear.gather [hbm4b:s4+s2], $0x100, $0x38;
	[tilespmem:$0x8100] =	vst v63  }
0x9: {  	s6 =	simm.s32 $0x100;
	s11 =	sshrl.u32 s10, $0x1;
	_ =	swait.ge [sflag:s3], $0x100  }
0xa: {  	s9 =	sshll.u32 s9, $0x4;
	s31 =	ssub.s32 s10, s11;
	[sflag:s3] =	ssyncset.done $0x0  }
0xb: {  	s8 =	sadd.s32 s9, s8;
	s9 =	smax.u32 s31, $0x1;
	[sflag:s3] =	ssyncadd.s32 $0xFFFFFF00  }
0xc: {  	[tilespmem:s6], [sflag:$0x1] =	stream.indirect.gather [hbm4b:s5+s6], $0x80, s2, s6, $0xb8;
	[tilespmem:$0x8100] =	vst v63  }
0xd: {  	p0 =	sne.s32 s9, $0x1;
	_ =	swait.ge [sflag:s7], $0x8000  }
.Ltmp0:
0xe: {  	[sflag:s7] =	ssyncset.done $0x0;
	(pc) =	sbr.rel @!p0 .LBB2_2-.Ltmp0, $4  }
0xf: {  	s8 =	sadd.s32 $0x51000, s8;
	[sflag:s7] =	ssyncadd.s32 $0xFFFF8000  }
0x10: {  	[hbm4b:s8+s2] =	stream.linear.scatter [tilespmem:s6], [sflag:$0x2], $0x8000, $0x38;
	[tilespmem:$0x8100] =	vst v63  }
0x11: {  	_ =	swait.ge [sflag:s3], $0x8000  }
0x12: {  	s9 =	sadd.s32 $0xFFFFFFFF, s9;
	[sflag:s3] =	ssyncset.done $0x0  }
.LBB2_1:
0x13: {  	p0 =	sne.s32 s9, $0x1;
	s9 =	sadd.s32 $0xFFFFFFFF, s9;
	[sflag:s3] =	ssyncadd.s32 $0xFFFF8000  }
0x14: {  	[tilespmem:s2], [sflag:$0x2] =	stream.linear.gather [hbm4b:s4+s2], $0x100, $0x38;
	[tilespmem:$0x8100] =	vst v63  }
0x15: {  	_ =	swait.ge [sflag:s3], $0x100  }
0x16: {  	[sflag:s3] =	ssyncset.done $0x0  }
0x17: {  	[sflag:s3] =	ssyncadd.s32 $0xFFFFFF00  }
0x18: {  	[tilespmem:s6], [sflag:$0x1] =	stream.indirect.gather [hbm4b:s5+s6], $0x80, s2, s6, $0xb8;
	[tilespmem:$0x8100] =	vst v63  }
0x19: {  	_ =	swait.ge [sflag:s7], $0x8000  }
.Ltmp1:
0x1a: {  	[sflag:s7] =	ssyncset.done $0x0;
	(pc) =	sbr.rel @p0 .LBB2_1-.Ltmp1, $4  }
0x1b: {  	[sflag:s7] =	ssyncadd.s32 $0xFFFF8000  }
0x1c: {  	[hbm4b:s8+s2] =	stream.linear.scatter [tilespmem:s6], [sflag:$0x2], $0x8000, $0x38;
	[tilespmem:$0x8100] =	vst v63  }
0x1d: {  	_ =	swait.ge [sflag:s3], $0x8000  }
0x1e: {  	[sflag:s3] =	ssyncset.done $0x0  }
.LBB2_2:
0x1f: {  	[sflag:s3] =	ssyncadd.s32 $0xFFFF8000  }
0x20: {  	_ =	sfence.sel $0x180000  }
0x21: {  	[bflag:$0x0] =	sbarrier.arrive $0xFFFF  }
0x22: {  	p0 =	sne.s32 s0, $0x0;
	_ =	strace $0x90000047  }
0x23: {  	s0 =	sadd.s32 @!p0 $0x100000, s1;
	[bflag:$0x2] =	sbarrier.arrive $0xFFFF  }
0x24: {  	[sflag:s0] =	ssyncadd.tile.s32 @!p0 $0x1;
	_ =	shalt  }
.Lfunc_end2:
_tile_overlayer_lowered:
.L_overlay_start_2:
0x25: {  	(tag) =	ssettag $0x2  }
0x26: {  	s0 =	rddreg [dreg:$0x0];
	s2 =	stileid.u32  }
0x27: {  	s1 =	rddreg [dreg:$0x1];
	p0 =	sne.s32 s2, $0x0  }
0x28: {  	s3 =	rddreg [dreg:$0x2];
	[bflag:$0x3] =	sbarrier.arrive $0xFFFF;
	s2 =	simm.s32 @!p0 $0x1C02  }
0x29: {  	[timem:s3], [sflag:s2] =	dma.local @!p0 [hbm:s0], s1  }
0x2a: {  	s0 =	simm.s32 @!p0 $0x2  }
0x2b: {  	_ =	swait.ge @!p0 [sflag:s0], s1  }
0x2c: {  	s1 =	ssub.s32 @!p0 $0x0, s1;
	[sflag:s0] =	ssyncset.done @!p0 $0x0  }
0x2d: {  	[sflag:s0] =	ssyncadd.s32 @!p0 s1  }
0x2e: {  	[bflag:$0x3] =	sbarrier.arrive $0xFFFF  }
0x2f: {  	_ =	shalt  }

</sc_bundles>
